<compile_context>
chip_gen: v7x
topology: tpu7x:2x2x1
jax: 0.10.2.dev20260603
libtpu: 0.0.44.dev20260713+nightly
codegen_flags: <defaults>
</compile_context>

<pallas_src>
import functools

import jax
import jax.numpy as jnp
from jax import lax
from jax.experimental import pallas as pl
from jax.experimental.pallas import tpu as pltpu
from jax.experimental.pallas import tpu_sc as plsc


@functools.lru_cache(maxsize=None)
def _make_sc_gather(V, D, B):
    info = plsc.get_sparse_core_info()
    NC, NS = info.num_cores, info.num_subcores
    NW = NC * NS
    assert B % NW == 0 and (B // NW) % 8 == 0
    b_per_w = B // NW
    mesh = plsc.VectorSubcoreMesh(core_axis_name="c", subcore_axis_name="s")

    @functools.partial(
        pl.kernel,
        mesh=mesh,
        out_type=jax.ShapeDtypeStruct((B, D), jnp.float32),
        scratch_types=[
            pltpu.VMEM((b_per_w,), jnp.int32),
            pltpu.VMEM((b_per_w, D), jnp.float32),
            pltpu.SemaphoreType.DMA,
        ],
        compiler_params=pltpu.CompilerParams(use_tc_tiling_on_sc=True),
    )
    def gather(table_hbm, idx_hbm, out_hbm, idx_v, rows_v, sem):
        wid = lax.axis_index("s") * NC + lax.axis_index("c")
        base = wid * b_per_w
        pltpu.sync_copy(idx_hbm.at[pl.ds(base, b_per_w)], idx_v)
        pltpu.async_copy(table_hbm.at[idx_v], rows_v, sem).wait()
        pltpu.sync_copy(rows_v, out_hbm.at[pl.ds(base, b_per_w)])

    return gather


def _mm_body(we_ref, wu_ref, out_ref, emb_ref, sem):
    @pl.when(pl.program_id(0) == 0)
    def _fill():
        pltpu.make_async_copy(
            we_ref.at[pl.ds(0, emb_ref.shape[0])], emb_ref, sem
        ).start()
        pltpu.make_async_copy(
            we_ref.at[pl.ds(0, emb_ref.shape[0])], emb_ref, sem
        ).wait()

    out_ref[...] = jnp.dot(
        emb_ref[...], wu_ref[...], preferred_element_type=jnp.float32
    )


def _tc_matmul(M, W_E, W_U, n_blk=1024):
    K = W_E.shape[1]
    N = W_U.shape[1]
    return pl.pallas_call(
        _mm_body,
        grid=(pl.cdiv(N, n_blk),),
        in_specs=[
            pl.BlockSpec(memory_space=pl.ANY),
            pl.BlockSpec((K, n_blk), lambda n: (0, n)),
        ],
        out_specs=pl.BlockSpec((M, n_blk), lambda n: (0, n)),
        out_shape=jax.ShapeDtypeStruct((M, N), jnp.float32),
        scratch_shapes=[
            pltpu.VMEM((M, K), jnp.float32),
            pltpu.SemaphoreType.DMA,
        ],
        compiler_params=pltpu.CompilerParams(
            dimension_semantics=("arbitrary",),
        ),
    )(W_E, W_U)


def kernel(x, W_E, W_U):
    B, S = x.shape
    V, D = W_E.shape
    idx = x.reshape(-1).astype(jnp.int32)
    logits = _tc_matmul(B * S, W_E, W_U)
    return logits.reshape(B, S, -1)

# --- scband reference (transcript-rebuilt; emitter-appended) ---
"""Pipeline reference for scband-zero-layer-model-90108413870598 (READ-ONLY COPY).

The authoritative reference and input builder live on the scoring server;
editing this copy changes nothing except your own understanding.
"""

import jax, jax.numpy as jnp
import numpy as np
import math

D_VOCAB = 100000
D_MODEL = 768

def setup_inputs(seed: int = 0) -> dict:
    key = jax.random.key(seed)
    k1, k2, k3 = jax.random.split(key, 3)
    x = jax.random.randint(k1, (1, 2048), 0, D_VOCAB, dtype=jnp.int64 if jax.config.read('jax_enable_x64') else jnp.int32)
    W_E = (jax.random.normal(k2, (D_VOCAB, D_MODEL), dtype=jnp.float32) / math.sqrt(D_MODEL))
    W_U = (jax.random.normal(k3, (D_MODEL, D_VOCAB), dtype=jnp.float32) / math.sqrt(D_MODEL))
    return {"x": x, "W_E": W_E, "W_U": W_U}

def reference(x, W_E, W_U):
    # Embed: gather rows of the embedding table (SparseCore-style gather)
    embedded = jnp.take(W_E, x, axis=0)          # [B, S, d_model]
    # Unembed: project back to vocabulary logits
    logits = jnp.einsum('bsd,dv->bsv', embedded, W_U)  # [B, S, d_vocab]
    return logits

if __name__ == "__main__":
    import jax
    _d = setup_inputs()
    print(jax.jit(kernel)(*tuple(_d.values())))

</pallas_src>

<mosaic_0001>
module attributes {stable_mosaic.version = 14 : i64} {
  func.func @_mm_body(%arg0: i32, %arg1: memref<100000x768xf32, #tpu.memory_space<any>>, %arg2: memref<768x1024xf32, #tpu.memory_space<vmem>>, %arg3: memref<2048x1024xf32, #tpu.memory_space<vmem>>, %arg4: memref<2048x768xf32, #tpu.memory_space<vmem>>, %arg5: memref<!tpu.dma_semaphore, #tpu.memory_space<semaphore_mem>>) attributes {dimension_semantics = [#tpu.dimension_semantics<arbitrary>], iteration_bounds = array<i64: 98>, scalar_prefetch = 0 : i64, scratch_operands = 2 : i64, tpu.core_type = #tpu.core_type<tc>, window_params = [{}, {transform_indices = @transform_1, window_bounds = array<i64: 768, 1024>}, {transform_indices = @transform_2, window_bounds = array<i64: 2048, 1024>}]} {
    %eq3A = arith.constant 0 : i32
    %eq3A_0 = arith.cmpi eq, %arg0, %eq3A : i32
    %convert_element_type3A = arith.extui %eq3A_0 : i1 to i32
    %cond3A = arith.constant 0 : i32
    %cond3A_1 = arith.cmpi ne, %convert_element_type3A, %cond3A : i32
    scf.if %cond3A_1 {
      %dma_start3A = arith.constant 0 : i32
      %dma_start3A_10 = arith.constant 0 : i32
      %dma_start3A_11 = tpu.memref_slice %arg1[%dma_start3A, %dma_start3A_10] : memref<100000x768xf32, #tpu.memory_space<any>> -> memref<2048x768xf32, #tpu.memory_space<any>>
      tpu.enqueue_dma source(%dma_start3A_11 : memref<2048x768xf32, #tpu.memory_space<any>>) target(%arg4 : memref<2048x768xf32, #tpu.memory_space<vmem>>) target_semaphore(%arg5 : memref<!tpu.dma_semaphore, #tpu.memory_space<semaphore_mem>>)
      %dma_wait3A = arith.constant 0 : i32
      %dma_wait3A_12 = arith.constant 0 : i32
      %dma_wait3A_13 = tpu.memref_slice %arg1[%dma_wait3A, %dma_wait3A_12] : memref<100000x768xf32, #tpu.memory_space<any>> -> memref<2048x768xf32, #tpu.memory_space<any>>
      tpu.wait_dma2 semaphore(%arg5 : memref<!tpu.dma_semaphore, #tpu.memory_space<semaphore_mem>>) src(%dma_wait3A_13 : memref<2048x768xf32, #tpu.memory_space<any>>) dst(%arg4 : memref<2048x768xf32, #tpu.memory_space<vmem>>)
    } else {
    }
    %get3A = arith.constant 0 : index
    %get3A_2 = arith.constant 0 : index
    %get3A_3 = vector.load %arg4[%get3A, %get3A_2] : memref<2048x768xf32, #tpu.memory_space<vmem>>, vector<2048x768xf32>
    %get3A_4 = arith.constant 0 : index
    %get3A_5 = arith.constant 0 : index
    %get3A_6 = vector.load %arg2[%get3A_4, %get3A_5] : memref<768x1024xf32, #tpu.memory_space<vmem>>, vector<768x1024xf32>
    %dot_general3A = arith.constant dense<0.000000e+00> : vector<2048x1024xf32>
    %dot_general3A_7 = tpu.matmul %get3A_3, %get3A_6, %dot_general3A {dimension_numbers = #tpu.dot_dimension_numbers<[1], [0], [0], [1], [0, 0, 1, 1], [], []>, transpose_lhs_hint = false} : vector<2048x768xf32>, vector<768x1024xf32>, vector<2048x1024xf32> -> vector<2048x1024xf32>
    %swap3A = arith.constant 0 : index
    %swap3A_8 = arith.constant 0 : index
    %swap3A_9 = vector.load %arg3[%swap3A, %swap3A_8] : memref<2048x1024xf32, #tpu.memory_space<vmem>>, vector<2048x1024xf32>
    tpu.vector_store %arg3[%swap3A, %swap3A_8], %dot_general3A_7 {strides = array<i32>} : memref<2048x1024xf32, #tpu.memory_space<vmem>>, vector<2048x1024xf32>,
    return
  }
  func.func @transform_1(%arg0: i32) -> (i32, i32) {
    %c0_i32 = arith.constant 0 : i32
    %c0_i32_0 = arith.constant 0 : i32
    return %c0_i32, %arg0 : i32, i32
  }
  func.func @transform_2(%arg0: i32) -> (i32, i32) {
    %c0_i32 = arith.constant 0 : i32
    %c0_i32_0 = arith.constant 0 : i32
    return %c0_i32, %arg0 : i32, i32
  }
}

</mosaic_0001>

<sc_bundles>
// kernel: sparse-core-data-format-call.cloned.1.call-start
scs
called_computation_lowered:
.L_overlay_start_0:
0x0: {  	s2 =	sld [smem:$0x3FD9]  }
0x1: {  	s3 =	sld [smem:$0x3FFE];
	_ =	sdelay $0x1  }
0x2: {  	s1 =	srdreg.scid  }
0x3: {  	s0 =	sand.u32 $0x1, s1  }
0x4: {  	s18 =	sshll.u32 s0, $0xA;
	s2 =	sadd.s32 s3, s2  }
0x5: {  	s2 =	sadd.s32 s2, s18  }
0x6: {  	[smem:$0x3FC6] =	sst s2  }
0x7: {  	_ = 	snop  }
0x8: {  	s2 =	sld [smem:$0x3FD0];
	(tm) =	ssettm $0x1  }
0x9: {  	s19 =	sld [smem:$0x3FFB];
	_ =	sdelay $0x3  }
0xa: {  	_ =	strace s19  }
0xb: {  	s3 =	sld [smem:$0x3FFC];
	_ =	sdelay $0x3  }
0xc: {  	_ =	strace s3  }
0xd: {  	s3 =	sld [smem:$0x3FFD];
	_ =	sdelay $0x3  }
0xe: {  	_ =	strace s3  }
0xf: {  	_ =	strace $0x8FFFFFFF  }
0x10: {  	s20 =	sld [smem:$0x3FDB];
	_ =	sdelay $0x1  }
0x11: {  	s4 =	simm.s32 $_scs_section_size  }
0x12: {  	s5 =	simm.s32 $_size__tile_overlayer_lowered;
	s6 =	simm.s32 $_tile_overlayer_lowered  }
0x13: {  	s23 =	simm.s32 $0x1BFF;
	s22 =	sshll.u32 s6, $0x1;
	s3 =	sadd.s32 s4, s20  }
0x14: {  	s7 =	simm.s32 $0x0;
	s21 =	sshll.u32 s5, $0x1;
	s5 =	sadd.s32 s22, s3  }
0x15: {  	[timem:s7], [sflag:s23] =	dma.local [hbm:s5], s21  }
0x16: {  	_ =	swait.ge [sflag:s23], s21  }
0x17: {  	s4 =	ssub.s32 $0x0, s21;
	[sflag:s23] =	ssyncset.done $0x0  }
0x18: {  	[sflag:s23] =	ssyncadd.s32 s4;
	_ =	sdelay $0x1  }
0x19: {  	s24 =	simm.s32 $0x1B8B  }
0x1a: {  	_ =	swait.ge [sflag:s24], $0x1  }
0x1b: {  	[sflag:s24] =	ssyncset.done $0x0  }
0x1c: {  	s26 =	simm.s32 $0x1B8E;
	s25 =	sld [smem:$0x3FFE];
	[sflag:s24] =	ssyncadd.s32 $0xFFFFFFFF  }
0x1d: {  	s27 =	simm.s32 $execute0_lowered;
	[smem:$0x3FD2] =	sst s26  }
0x1e: {  	s5 =	sshll.u32 s27, $0x1;
	_ =	strace $0x80000046;
	[dreg:$0x1] =	wrdreg $0xFFFFFFFF  }
0x1f: {  	s28 =	simm.s32 $_size_execute0_lowered;
	s3 =	sadd.s32 s3, s5;
	[dreg:$0x0] =	wrdreg $0x0  }
0x20: {  	s5 =	sshll.u32 s28, $0x1;
	[dreg:$0x2] =	wrdreg s3  }
0x21: {  	[dreg:$0x3] =	wrdreg s5  }
0x22: {  	[dreg:$0x4] =	wrdreg $0xC0  }
0x23: {  	_ =	task [dreg:s7], $0x5FFFF  }
0x24: {  	[dreg:$0x1] =	wrdreg $0xFFFFFFFF  }
0x25: {  	[dreg:$0x0] =	wrdreg $0x60  }
0x26: {  	[dreg:$0x2] =	wrdreg s25  }
0x27: {  	[dreg:$0x3] =	wrdreg s2  }
0x28: {  	[dreg:$0x4] =	wrdreg $0x9  }
0x29: {  	_ =	task.clear_ibuf [dreg:s7], $0x5FFFF;
	_ =	strace $0x90000046  }
0x2a: {  	s29 =	simm.s32 $0x9;
	_ =	strace $0x80000048  }
0x2b: {  	_ =	swait.ge [sflag:s29], $0x1  }
0x2c: {  	[sflag:s29] =	ssyncadd.s32 $0xFFFFFFFF  }
0x2d: {  	_ =	strace $0x90000048  }
0x2e: {  	_ =	sfence  }
0x2f: {  	s30 =	sld [smem:$0x0];
	_ =	sdelay $0x2  }
0x30: {  	s31 =	sshll.u32 s1, $0xD;
	s1 =	sshrl.u32 s1, $0x2  }
0x31: {  	s3 =	sand.u32 $0x4000, s31;
	s1 =	sadd.s32 s1, s30  }
0x32: {  	s0 =	sor.u32 s3, s0;
	s1 =	sshll.u32 s1, $0x11  }
0x33: {  	s0 =	sor.u32 s1, s0  }
0x34: {  	s0 =	sadd.s32 $0x8F2B, s0  }
0x35: {  	[sflag:s0] =	ssyncadd.remote.s32 $0x1  }
0x36: {  	_ =	sfence.sel $0xFFFF  }
0x37: {  	[dreg:$0x0] =	wrdreg $0xFFFFFFFF;
	(pc) =	sbr.abs _section_cstart, $3  }
0x38: {  	[dreg:$0x1] =	wrdreg $0xFFFFFFFF  }
0x39: {  	_ =	task.clear_ibuf [dreg:s7], $0x2FFFF;
	_ =	strace $0x9FFFFFFF  }
0x3a: {  	(tm) =	ssettm $0x7FFFFFFF  }
0x3b: {  	_ =	shalt  }
tec
execute0_lowered:
.L_overlay_start_1:
0x0: {  	(tag) =	ssettag $0x1  }
0x1: {  	s4 =	rddreg [dreg:$0x0]  }
0x2: {  	s0 =	stileid.u32;
	s3 =	rddreg [dreg:$0x1]  }
0x3: {  	s1 =	rddreg [dreg:$0x2];
	_ =	strace $0x80000047;
	s7 =	srdreg.scid  }
0x4: {  	s8 =	simm.s32 $0x2;
	s16 =	simm.s32 $0x0;
	s2 =	sshll.u32 s0, $0x7  }
0x5: {  	s9 =	simm.s32 $0x4000;
	s15 =	simm.s32 $0x0;
	s5 =	ssub.s32 $0x800, s2  }
0x6: {  	s10 =	simm.s32 $0x0;
	s11 =	simm.s32 $0x0;
	s6 =	sand.u32 $0x780, s5  }
0x7: {  	s14 =	simm.s32 $0x0;
	p0 =	sne.s32 s6, $0x0;
	s6 =	simm.s32 $0x1  }
.Ltmp0:
0x8: {  	s5 =	sshrl.u32 s5, $0xB;
	s6 =	simm.s32 @!p0 $0x0;
	(pc) =	sbr.rel .LBB1_1-.Ltmp0, $4  }
0x9: {  	s4 =	sadd.s32 $0x400, s4;
	s7 =	sshll.u32 s7, $0x7;
	s6 =	sadd.s32 s6, s5  }
0xa: {  	s7 =	sand.u32 $0x80, s7;
	s5 =	simm.s32 $0x1;
	s6 =	smul.u32 $0x187, s6  }
0xb: {  	s13 =	smov.u32 s2;
	s12 =	smov.u32 s7;
	[sflag:s5] =	ssyncpa.u1 $0x0  }
0xc: {  	p0 =	por $0x0, $0x0;
	[sflag:s8] =	ssyncpa.u1 $0x0;
	s8 =	sadd.s32 $0x1, s6  }
.LBB1_4:
0xd: {  	s21 =	sshra.s32 s21, $0x2;
	s26 =	sshll.u32 s10, $0xB  }
0xe: {  	s22 =	sand.u32 $0x78, s11;
	s23 =	sshll.u32 s11, $0x3;
	s25 =	sshll.u32 s10, $0x7  }
0xf: {  	p1 =	sgt.s32 s10, $0x18620;
	s29 =	sshra.s32 s10, $0x1F;
	s20 =	sadd.s32 s21, s20  }
0x10: {  	s21 =	sand.u32 $0xFFFFC000, s26;
	s24 =	sand.u32 $0xFFFFFC00, s23;
	s23 =	sand.u32 $0x400, s23  }
0x11: {  	v5 =	vld [tilespmem:s18+$0xFFFFFFD0];
	[tilespmem:s19+$0x2040 ss:$0x81] =	vst.msk $0xffff, v4;
	s27 =	sand.u32 $0x380, s25;
	s30 =	sand.u32 s29, s10;
	s25 =	smov.u32 s11  }
0x12: {  	v58 =	vld [tilespmem:s18+$0xFFFFFFE0];
	[tilespmem:s19+$0x2850 ss:$0x81] =	vst.msk $0xffff, v3;
	s26 =	sshra.s32 s11, $0x1F;
	s21 =	sadd.s32 s24, s21;
	s22 =	sor.u32 s22, s23  }
0x13: {  	v59 =	vld [tilespmem:s18+$0xFFFFFFF0];
	[tilespmem:s19+$0x3060 ss:$0x81] =	vst.msk $0xffff, v2;
	s23 =	smov.u32 s10;
	s31 =	sand.u32 s26, s11;
	s22 =	sor.u32 s27, s22  }
0x14: {  	v60 =	vld [tilespmem:s18+$0x0];
	[tilespmem:s19+$0x0 ss:$0x81] =	vst.msk $0xffff, v1;
	s21 =	sshrl.u32 s21, $0xB;
	s23 =	simm.s32 @!p1 $0x18620;
	p1 =	sgt.s32 s11, $0x780  }
0x15: {  	v61 =	vld [tilespmem:s18+$0x10];
	[tilespmem:s20+$0x3870 ss:$0x81] =	vst.msk $0xffff, v0;
	s28 =	smulhi.u32 $0xA7C5B, s21;
	s19 =	ssub.s32 s23, s30;
	s25 =	simm.s32 @!p1 $0x780  }
0x16: {  	v62 =	vld [tilespmem:s18+$0x20];
	[tilespmem:s20+$0x810 ss:$0x81] =	vst.msk $0xffff, v5;
	s23 =	ssub.s32 s25, s31;
	s26 =	sadd.s32 $0xFFFE79E0, s19;
	s19 =	ssub.s32 $0x186A0, s19  }
0x17: {  	v63 =	vld [tilespmem:s18+$0xFFFFFFC0];
	[tilespmem:s20+$0x1020 ss:$0x81] =	vst.msk $0xffff, v58;
	s24 =	sshrl.u32 s28, $0x4;
	p1 =	sgt.s32 s26, $0x7F;
	s28 =	sadd.s32 $0xFFFFF880, s23  }
0x18: {  	[tilespmem:s20+$0x1830 ss:$0x81] =	vst.msk $0xffff, v59;
	s23 =	ssub.s32 $0x800, s23;
	s27 =	smul.u32 $0x186A0, s24;
	p2 =	sgt.s32 s28, $0x7F  }
0x19: {  	s29 =	sshrl.u32 s22, $0x3;
	[tilespmem:s20+$0x2040 ss:$0x81] =	vst.msk $0xffff, v60;
	s19 =	simm.s32 @p1 $0x0;
	s23 =	simm.s32 @p2 $0x0  }
0x1a: {  	s30 =	sand.u32 $0x7, s11;
	[tilespmem:s20+$0x2850 ss:$0x81] =	vst.msk $0xffff, v61;
	s18 =	ssub.s32 s21, s27;
	s19 =	smul.u32 s23, s19  }
0x1b: {  	[tilespmem:s20+$0x3060 ss:$0x81] =	vst.msk $0xffff, v62;
	s22 =	sshll.u32 s30, $0x12;
	s21 =	sadd.s32 s3, s29;
	s18 =	sshll.u32 s18, $0x8  }
0x1c: {  	[tilespmem:s20+$0x0 ss:$0x81] =	vst.msk $0xffff, v63;
	s31 =	sor.u32 $0x400, s22;
	s19 =	sand.u32 $0x3FFFFFFF, s19;
	s18 =	sadd.s32 s18, s21  }
0x1d: {  	[hbm4b:s18+s31] =	stream.strided.scatter [tilespmem:s17], [sflag:$0x2], s19, s9, s31, $0x20;
	[tilespmem:$0x10100] =	vst v63  }
.LBB1_5:
0x1e: {  	p1 =	slt.u32 s14, $0x2  }
0x1f: {  	s18 =	smov.u32 s16;
	p2 =	sgt.s32 @!p1 s16, $0x18620;
	s17 =	sshra.s32 @!p1 s16, $0x1F  }
0x20: {  	p3 =	sgt.s32 @!p1 s15, $0x780;
	s19 =	sshra.s32 @!p1 s15, $0x1F;
	p2 =	por !p2, p1  }
0x21: {  	s16 =	sand.u32 @!p1 s17, s16;
	p3 =	por !p3, p1;
	s17 =	smov.u32 s15  }
0x22: {  	s15 =	sand.u32 @!p1 s19, s15;
	s18 =	simm.s32 @p2 $0x18620;
	s17 =	simm.s32 @p3 $0x780  }
0x23: {  	s16 =	ssub.s32 @!p1 s18, s16;
	s15 =	ssub.s32 @!p1 s17, s15  }
0x24: {  	s19 =	smov.u32 s13;
	s17 =	sadd.s32 @!p1 $0xFFFE79E0, s16;
	s18 =	sadd.s32 @!p1 $0xFFFFF880, s15  }
0x25: {  	s16 =	ssub.s32 @!p1 $0x186A0, s16;
	p2 =	sgt.s32 @!p1 s17, $0x7F;
	p3 =	sgt.s32 @!p1 s18, $0x7F  }
0x26: {  	s15 =	ssub.s32 @!p1 $0x800, s15;
	p2 =	por !p2, p1;
	p3 =	por !p3, p1  }
0x27: {  	s17 =	sadd.s32 $0x100, s12;
	s16 =	simm.s32 @!p2 $0x0;
	s15 =	simm.s32 @!p3 $0x0  }
0x28: {  	p2 =	sgt.s32 s17, $0x1869F;
	s15 =	smul.u32 @!p1 s15, s16;
	s16 =	sadd.s32 $0x800, s13  }
0x29: {  	s19 =	smov.u32 @p2 s16  }
0x2a: {  	s17 =	smov.u32 @p2 s7;
	p2 =	sgt.s32 s19, $0x7FF  }
0x2b: {  	s19 =	smov.u32 @p2 s2;
	p2 =	sne.s32 s14, s8  }
.Ltmp1:
0x2c: {  	p0 =	por !p0, !p0;
	s18 =	simm.s32 @!p1 $0x2;
	(pc) =	sbr.rel @!p2 .LBB1_6-.Ltmp1, $4  }
0x2d: {  	s16 =	smov.u32 s10;
	s10 =	smov.u32 s12;
	s15 =	sand.u32 @!p1 $0x3FFFFFFF, s15  }
0x2e: {  	s12 =	smov.u32 s17;
	_ =	swait.ge @!p1 [sflag:s18], s15;
	s20 =	ssub.s32 @!p1 $0x0, s15  }
0x2f: {  	s15 =	smov.u32 s11;
	s14 =	sadd.s32 $0x1, s14;
	[sflag:s18] =	ssyncset.done @!p1 $0x0  }
0x30: {  	s11 =	smov.u32 s13;
	s13 =	smov.u32 s19;
	[sflag:s18] =	ssyncadd.s32 @!p1 s20  }
.LBB1_1:
0x31: {  	p1 =	sge.u32 s14, s6  }
0x32: {  	s17 =	sshrl.u32 @!p1 s13, $0x3  }
0x33: {  	s18 =	sshll.u32 @!p1 s12, $0x3;
	s17 =	smul.u32 @!p1 $0xC3800, s17  }
0x34: {  	s19 =	sshll.u32 @!p1 s13, $0x7;
	s18 =	sand.u32 @!p1 $0xFFFFFC00, s18  }
0x35: {  	s17 =	sadd.s32 @!p1 s17, s18;
	s18 =	sand.u32 @!p1 $0x380, s19  }
0x36: {  	s19 =	sand.u32 @!p1 $0x7F, s12;
	s17 =	sor.u32 @!p1 s18, s17  }
0x37: {  	s18 =	sor.u32 @!p1 s19, s17  }
0x38: {  	s19 =	smulhi.u32 @!p1 $0xA79C7B17, s18;
	_ =	sdelay $0x1  }
0x39: {  	s17 =	smulhi.u32 @!p1 $0xA79C7B17, s17;
	s19 =	sshrl.u32 @!p1 s19, $0x10  }
0x3a: {  	s19 =	smul.u32 @!p1 $0x18700, s19  }
0x3b: {  	s31 =	sadd.s32 $0xFFFFFFFF, s14;
	s20 =	sxor.u32 @!p1 $0xFFFFFFFF, s14;
	s17 =	sshrl.u32 @!p1 s17, $0x10  }
0x3c: {  	s20 =	sshll.u32 @!p1 s20, $0xE;
	s17 =	sand.u32 @!p1 $0x7FF, s17;
	s18 =	ssub.s32 @!p1 s18, s19  }
0x3d: {  	s17 =	smul.u32 @!p1 $0x30E0, s17;
	s19 =	sshrl.u32 @!p1 s18, $0x3;
	s18 =	sand.u32 @!p1 $0x7, s18  }
0x3e: {  	s20 =	sand.u32 @!p1 $0x4000, s20;
	s19 =	sadd.s32 @!p1 s4, s19;
	s18 =	sshll.u32 @!p1 s18, $0x12  }
0x3f: {  	s17 =	sadd.s32 @!p1 s17, s19;
	s18 =	sor.u32 @!p1 $0x400, s18;
	s19 =	simm.s32 @!p1 $0xC3800  }
0x40: {  	[tilespmem:s20], [sflag:$0x1] =	stream.strided.gather @!p1 [hbm4b:s17+s18], $0x4000, s19, s18, $0x38;
	[tilespmem:$0x10100] =	vst v63  }
0x41: {  	p1 =	sge.u32 s31, s6  }
.Ltmp2:
0x42: {  	_ = 	snop;
	(pc) =	sbr.rel @p1 .LBB1_5-.Ltmp2, $1  }
0x43: {  	_ =	sdelay $0x3  }
0x44: {  	s17 =	simm.s32 $0x1  }
0x45: {  	_ =	swait.ge [sflag:s5], $0x4000;
	s17 =	simm.s32 @!p0 $0x0  }
0x46: {  	[sflag:s5] =	ssyncset.done $0x0;
	s18 =	sshll.u32 s17, $0xE  }
0x47: {  	[sflag:s5] =	ssyncadd.s32 $0xFFFFC000;
	s18 =	sor.u32 $0x40, s18  }
0x48: {  	s17 =	smul.u32 $0x10200, s17;
	v0 =	vld [tilespmem:s18+$0x30]  }
0x49: {  	v1 =	vld [tilespmem:s18+$0xFFFFFFD0]  }
0x4a: {  	s17 =	sshrl.u32 s17, $0x2;
	v5 =	vld [tilespmem:s18+$0xFFFFFFE0]  }
0x4b: {  	v6 =	vld [tilespmem:s18+$0xFFFFFFF0];
	s20 =	sor.u32 $0x8000, s17  }
0x4c: {  	s31 =	sand.u32 $0x1, s14;
	v4 =	vld [tilespmem:s18+$0x0];
	s19 =	sadd.s32 $0x0, s20  }
0x4d: {  	v3 =	vld [tilespmem:s18+$0x10];
	s17 =	smul.u32 $0x10200, s31;
	[tilespmem:s19+$0x3870 ss:$0x81] =	vst.msk $0xffff, v0  }
0x4e: {  	v2 =	vld [tilespmem:s18+$0x20];
	[tilespmem:s19+$0x810 ss:$0x81] =	vst.msk $0xffff, v1  }
0x4f: {  	s17 =	sshrl.u32 s17, $0x2;
	v1 =	vld [tilespmem:s18+$0xFFFFFFC0];
	[tilespmem:s19+$0x1020 ss:$0x81] =	vst.msk $0xffff, v5;
	s18 =	sadd.s32 $0x80, s18  }
0x50: {  	s21 =	simm.s32 $0x4;
	s22 =	simm.s32 $0x8;
	s17 =	sor.u32 $0x8000, s17;
	[tilespmem:s19+$0x1830 ss:$0x81] =	vst.msk $0xffff, v6;
	v0 =	vld [tilespmem:s18+$0x30]  }
.LBB1_3:
0x51: {  	p1 =	sne.s32 s22, $0x1FC;
	v5 =	vld [tilespmem:s18+$0xFFFFFFD0];
	[tilespmem:s19+$0x2040 ss:$0x81] =	vst.msk $0xffff, v4  }
0x52: {  	v6 =	vld [tilespmem:s18+$0xFFFFFFE0];
	[tilespmem:s19+$0x2850 ss:$0x81] =	vst.msk $0xffff, v3  }
0x53: {  	s23 =	sshra.s32 s21, $0x2;
	s21 =	smov.u32 s22;
	v7 =	vld [tilespmem:s18+$0xFFFFFFF0];
	[tilespmem:s19+$0x3060 ss:$0x81] =	vst.msk $0xffff, v2  }
.Ltmp3:
0x54: {  	v4 =	vld [tilespmem:s18+$0x0];
	[tilespmem:s19+$0x0 ss:$0x81] =	vst.msk $0xffff, v1;
	s19 =	sadd.s32 s23, s20;
	(pc) =	sbr.rel @p1 .LBB1_3-.Ltmp3, $4  }
0x55: {  	v3 =	vld [tilespmem:s18+$0x10];
	[tilespmem:s19+$0x3870 ss:$0x81] =	vst.msk $0xffff, v0  }
0x56: {  	[tilespmem:s19+$0x810 ss:$0x81] =	vst.msk $0xffff, v5;
	v2 =	vld [tilespmem:s18+$0x20]  }
0x57: {  	v1 =	vld [tilespmem:s18+$0xFFFFFFC0];
	[tilespmem:s19+$0x1020 ss:$0x81] =	vst.msk $0xffff, v6;
	s18 =	sadd.s32 $0x80, s18  }
0x58: {  	s22 =	sadd.s32 $0x4, s22;
	v0 =	vld [tilespmem:s18+$0x30];
	[tilespmem:s19+$0x1830 ss:$0x81] =	vst.msk $0xffff, v7  }
.Ltmp4:
0x59: {  	_ = 	snop;
	(pc) =	sbr.rel .LBB1_4-.Ltmp4, $1  }
0x5a: {  	_ =	sdelay $0x3  }
.LBB1_6:
0x5b: {  	_ =	sfence.sel $0x180000  }
0x5c: {  	s2 =	simm.s32 $0x1;
	[bflag:$0x0] =	sbarrier.arrive $0xFFFF  }
0x5d: {  	s31 =	simm.s32 $0x2;
	[sflag:s2] =	ssyncpa.u1 $0x1  }
0x5e: {  	[sflag:s31] =	ssyncpa.u1 $0x1  }
0x5f: {  	p0 =	sne.s32 s0, $0x0;
	_ =	strace $0x90000047  }
0x60: {  	s0 =	sadd.s32 @!p0 $0x100000, s1;
	[bflag:$0x2] =	sbarrier.arrive $0xFFFF  }
0x61: {  	[sflag:s0] =	ssyncadd.tile.s32 @!p0 $0x1;
	_ =	shalt  }
.Lfunc_end1:
_tile_overlayer_lowered:
.L_overlay_start_2:
0x62: {  	(tag) =	ssettag $0x2  }
0x63: {  	s0 =	rddreg [dreg:$0x0];
	s2 =	stileid.u32  }
0x64: {  	s1 =	rddreg [dreg:$0x1];
	p0 =	sne.s32 s2, $0x0  }
0x65: {  	s3 =	rddreg [dreg:$0x2];
	[bflag:$0x3] =	sbarrier.arrive $0xFFFF;
	s2 =	simm.s32 @!p0 $0x1C01  }
0x66: {  	[timem:s3], [sflag:s2] =	dma.local @!p0 [hbm:s0], s1  }
0x67: {  	s0 =	simm.s32 @!p0 $0x1  }
0x68: {  	_ =	swait.ge @!p0 [sflag:s0], s1  }
0x69: {  	s1 =	ssub.s32 @!p0 $0x0, s1;
	[sflag:s0] =	ssyncset.done @!p0 $0x0  }
0x6a: {  	[sflag:s0] =	ssyncadd.s32 @!p0 s1  }
0x6b: {  	[bflag:$0x3] =	sbarrier.arrive $0xFFFF  }
0x6c: {  	_ =	shalt  }

</sc_bundles>
